<compile_context>
chip_gen: v7x
topology: tpu7x:2x2x1
jax: 0.10.2.dev20260603
libtpu: 0.0.44.dev20260713+nightly
codegen_flags: <defaults>
</compile_context>

<pallas_src>
import jax
import jax.numpy as jnp
from jax.experimental import pallas as pl
from jax.experimental.pallas import tpu as pltpu
from jax.experimental.pallas import tpu_sc as plsc

K = 65536
DIM = 128
B = 4096
VK = K // DIM
NW = 32
CW = K // NW
VW = VK // NW


def _sc_update(ptr_arr, features, keys, vids2d, kv2d):
    mesh = plsc.VectorSubcoreMesh(core_axis_name="c", subcore_axis_name="s")

    @pl.kernel(
        out_type=[
            jax.ShapeDtypeStruct((K, DIM), jnp.float32),
            jax.ShapeDtypeStruct((VK, DIM), jnp.float32),
        ],
        mesh=mesh,
        scratch_types=[pltpu.VMEM((16,), jnp.int32)],
    )
    def sck(p_hbm, f_hbm, k_hbm, v_hbm, kv_hbm, of_hbm, ov_hbm, p_vmem):
        c = jax.lax.axis_index("c")
        s = jax.lax.axis_index("s")
        w = c * 16 + s
        pltpu.sync_copy(p_hbm, p_vmem)
        pvec = p_vmem[...]
        ptr = pl.multiple_of(pvec[0], CW)
        base = w * CW
        vbase = w * VW
        inside = (base >= ptr) & (base < ptr + B)

        @pl.when(inside)
        def _():
            pltpu.sync_copy(k_hbm.at[pl.ds(pl.multiple_of(base - ptr, 8), CW), :],
                            of_hbm.at[pl.ds(base, CW), :])
            pltpu.sync_copy(kv_hbm.at[pl.ds(pl.multiple_of(vbase - ptr // DIM, 8), VW), :],
                            ov_hbm.at[pl.ds(vbase, VW), :])

        @pl.when(jnp.logical_not(inside))
        def _():
            pltpu.sync_copy(f_hbm.at[pl.ds(base, CW), :],
                            of_hbm.at[pl.ds(base, CW), :])
            pltpu.sync_copy(v_hbm.at[pl.ds(vbase, VW), :],
                            ov_hbm.at[pl.ds(vbase, VW), :])

    return sck(jnp.broadcast_to(ptr_arr, (16,)), features, keys, vids2d, kv2d)


def kernel(features, vids, keys, key_vids, ptr):
    ptr_arr = jnp.atleast_1d(jnp.asarray(ptr, dtype=jnp.int32))
    vids2d = vids.reshape(VK, DIM)
    kv2d = key_vids.reshape(B // DIM, DIM)

    features_new, vids_new2d = _sc_update(ptr_arr, features, keys, vids2d, kv2d)

    new_ptr = ((ptr_arr[0] + B) % K).astype(jnp.int32)
    return features_new, vids_new2d.reshape(K), new_ptr

# --- scband reference (transcript-rebuilt; emitter-appended) ---
"""Pipeline reference for scband-queue-8564164789086 (READ-ONLY COPY).

The authoritative reference and input builder live on the scoring server;
editing this copy changes nothing except your own understanding.
"""

import jax, jax.numpy as jnp
import numpy as np

K = 65536
DIM = 128
B = 4096


def setup_inputs(seed: int = 0) -> dict:
    key = jax.random.key(seed)
    k1, k2, k3, k4 = jax.random.split(key, 4)
    # learned/registered buffers of the Queue module (init: torch.randn(K, dim), torch.randn(K))
    features = jax.random.normal(k1, (K, DIM), dtype=jnp.float32)
    vids = jax.random.normal(k2, (K,), dtype=jnp.float32)
    # forward args: keys batch and their video ids
    keys = jax.random.normal(k3, (B, DIM), dtype=jnp.float32)
    key_vids = jax.random.normal(k4, (B,), dtype=jnp.float32)
    ptr = 8192  # current queue pointer; K % B == 0 holds (65536 % 4096 == 0)
    return {"features": features, "vids": vids, "keys": keys, "key_vids": key_vids, "ptr": ptr}


def reference(features, vids, keys, key_vids, ptr):
    # _dequeue_and_enqueue with world_size == 1 (concat_all_gather is identity).
    # self.features[ptr:ptr+B] = keys  (scatter-overwrite of a contiguous row block)
    # self.vids[ptr:ptr+B] = vids
    batch_size = keys.shape[0]
    features_new = jax.lax.dynamic_update_slice(features, keys, (ptr, 0))
    vids_new = jax.lax.dynamic_update_slice(vids, key_vids, (ptr,))
    new_ptr = (ptr + batch_size) % features.shape[0]
    return features_new, vids_new, jnp.array(new_ptr, dtype=jnp.int32)

if __name__ == "__main__":
    import jax
    _d = setup_inputs()
    print(jax.jit(kernel)(*tuple(_d.values())))

</pallas_src>

<mosaic_0001>
#map = affine_map<(d0, d1) -> (0)>
#map1 = affine_map<(d0, d1) -> (0, 0)>
module attributes {stable_mosaic.version = 14 : i64} {
  func.func @sck(%arg0: i32, %arg1: i32, %arg2: memref<16xi32, #tpu.memory_space<hbm>>, %arg3: memref<65536x128xf32, #tpu.memory_space<hbm>>, %arg4: memref<4096x128xf32, #tpu.memory_space<hbm>>, %arg5: memref<512x128xf32, #tpu.memory_space<hbm>>, %arg6: memref<32x128xf32, #tpu.memory_space<hbm>>, %arg7: memref<65536x128xf32, #tpu.memory_space<hbm>>, %arg8: memref<512x128xf32, #tpu.memory_space<hbm>>, %arg9: memref<16xi32, #tpu.memory_space<vmem>>) attributes {dimension_semantics = [#tpu.dimension_semantics<core_parallel>, #tpu.dimension_semantics<subcore_parallel>], iteration_bounds = array<i64: 2, 16>, scalar_prefetch = 0 : i64, scratch_operands = 1 : i64, tpu.core_type = #tpu.core_type<sc_vector_subcore>, window_params = [{transform_indices = #map}, {transform_indices = #map1}, {transform_indices = #map1}, {transform_indices = #map1}, {transform_indices = #map1}, {transform_indices = #map1}, {transform_indices = #map1}]} {
    %mul3A = arith.constant 16 : i32
    %mul3A_0 = arith.muli %arg0, %mul3A : i32
    %add3A = arith.addi %mul3A_0, %arg1 : i32
    "tpu.region"() ({
      %run_scoped3A = tpu.sem_alloc : memref<!tpu.dma_semaphore, #tpu.memory_space<semaphore_mem>>
      tpu.enqueue_dma source(%arg2 : memref<16xi32, #tpu.memory_space<hbm>>) target(%arg9 : memref<16xi32, #tpu.memory_space<vmem>>) target_semaphore(%run_scoped3A : memref<!tpu.dma_semaphore, #tpu.memory_space<semaphore_mem>>)
      tpu.wait_dma2 semaphore(%run_scoped3A : memref<!tpu.dma_semaphore, #tpu.memory_space<semaphore_mem>>) src(%arg2 : memref<16xi32, #tpu.memory_space<hbm>>) dst(%arg9 : memref<16xi32, #tpu.memory_space<vmem>>)
      tpu.yield
    }) : () -> ()
    %get3A = arith.constant 0 : index
    %get3A_1 = tpu.vector_load %arg9[%get3A] {strides = array<i32>} : memref<16xi32, #tpu.memory_space<vmem>>, vector<16xi32>,
    %get3A_2 = vector.shape_cast %get3A_1 : vector<16xi32> to vector<16xi32>
    %slice3A = vector.extract_strided_slice %get3A_2 {offsets = [0], sizes = [1], strides = [1]} : vector<16xi32> to vector<1xi32>
    %squeeze3A = vector.extract %slice3A[0] : i32 from vector<1xi32>
    %multiple_of3A = tpu.assume_multiple %squeeze3A, 2048 : i32
    %mul3A_3 = arith.constant 2048 : i32
    %mul3A_4 = arith.muli %add3A, %mul3A_3 : i32
    %mul3A_5 = arith.constant 16 : i32
    %mul3A_6 = arith.muli %add3A, %mul3A_5 : i32
    %ge3A = arith.cmpi sge, %mul3A_4, %multiple_of3A : i32
    %add3A_7 = arith.constant 4096 : i32
    %add3A_8 = arith.addi %multiple_of3A, %add3A_7 : i32
    %lt3A = arith.cmpi slt, %mul3A_4, %add3A_8 : i32
    %and3A = arith.andi %ge3A, %lt3A : i1
    %convert_element_type3A = arith.extui %and3A : i1 to i32
    %cond3A = arith.constant 0 : i32
    %cond3A_9 = arith.cmpi ne, %convert_element_type3A, %cond3A : i32
    scf.if %cond3A_9 {
      %sub3A = arith.subi %mul3A_4, %multiple_of3A : i32
      %multiple_of3A_14 = tpu.assume_multiple %sub3A, 8 : i32
      "tpu.region"() ({
        %run_scoped3A = tpu.sem_alloc : memref<!tpu.dma_semaphore, #tpu.memory_space<semaphore_mem>>
        %dma_start3A = arith.constant 0 : i32
        %dma_start3A_35 = tpu.memref_slice %arg7[%mul3A_4, %dma_start3A] : memref<65536x128xf32, #tpu.memory_space<hbm>> -> memref<2048x128xf32, #tpu.memory_space<hbm>>
        %dma_start3A_36 = arith.constant 0 : i32
        %dma_start3A_37 = tpu.memref_slice %arg4[%multiple_of3A_14, %dma_start3A_36] : memref<4096x128xf32, #tpu.memory_space<hbm>> -> memref<2048x128xf32, #tpu.memory_space<hbm>>
        tpu.enqueue_dma source(%dma_start3A_37 : memref<2048x128xf32, #tpu.memory_space<hbm>>) target(%dma_start3A_35 : memref<2048x128xf32, #tpu.memory_space<hbm>>) target_semaphore(%run_scoped3A : memref<!tpu.dma_semaphore, #tpu.memory_space<semaphore_mem>>)
        %dma_wait3A = arith.constant 0 : i32
        %dma_wait3A_38 = tpu.memref_slice %arg7[%mul3A_4, %dma_wait3A] : memref<65536x128xf32, #tpu.memory_space<hbm>> -> memref<2048x128xf32, #tpu.memory_space<hbm>>
        %dma_wait3A_39 = arith.constant 0 : i32
        %dma_wait3A_40 = tpu.memref_slice %arg4[%multiple_of3A_14, %dma_wait3A_39] : memref<4096x128xf32, #tpu.memory_space<hbm>> -> memref<2048x128xf32, #tpu.memory_space<hbm>>
        tpu.wait_dma2 semaphore(%run_scoped3A : memref<!tpu.dma_semaphore, #tpu.memory_space<semaphore_mem>>) src(%dma_wait3A_40 : memref<2048x128xf32, #tpu.memory_space<hbm>>) dst(%dma_wait3A_38 : memref<2048x128xf32, #tpu.memory_space<hbm>>)
        tpu.yield
      }) : () -> ()
      %jit3A = arith.constant 128 : i32
      %div3A = arith.divsi %multiple_of3A, %jit3A : i32
      %sign3A = arith.constant 0 : i32
      %sign3A_15 = arith.cmpi sgt, %multiple_of3A, %sign3A : i32
      %sign3A_16 = arith.extui %sign3A_15 : i1 to i32
      %sign3A_17 = arith.constant 0 : i32
      %sign3A_18 = arith.cmpi slt, %multiple_of3A, %sign3A_17 : i32
      %sign3A_19 = arith.extui %sign3A_18 : i1 to i32
      %sign3A_20 = arith.subi %sign3A_16, %sign3A_19 : i32
      %sign3A_21 = arith.constant 0 : i32
      %sign3A_22 = arith.cmpi sgt, %jit3A, %sign3A_21 : i32
      %sign3A_23 = arith.extui %sign3A_22 : i1 to i32
      %sign3A_24 = arith.constant 0 : i32
      %sign3A_25 = arith.cmpi slt, %jit3A, %sign3A_24 : i32
      %sign3A_26 = arith.extui %sign3A_25 : i1 to i32
      %sign3A_27 = arith.subi %sign3A_23, %sign3A_26 : i32
      %ne3A = arith.cmpi ne, %sign3A_20, %sign3A_27 : i32
      %rem3A = arith.remsi %multiple_of3A, %jit3A : i32
      %ne3A_28 = arith.constant 0 : i32
      %ne3A_29 = arith.cmpi ne, %rem3A, %ne3A_28 : i32
      %and3A_30 = arith.andi %ne3A, %ne3A_29 : i1
      %sub3A_31 = arith.constant 1 : i32
      %sub3A_32 = arith.subi %div3A, %sub3A_31 : i32
      %select_n3A = arith.select %and3A_30, %sub3A_32, %div3A : i32
      %sub3A_33 = arith.subi %mul3A_6, %select_n3A : i32
      %multiple_of3A_34 = tpu.assume_multiple %sub3A_33, 8 : i32
      "tpu.region"() ({
        %run_scoped3A = tpu.sem_alloc : memref<!tpu.dma_semaphore, #tpu.memory_space<semaphore_mem>>
        %dma_start3A = arith.constant 0 : i32
        %dma_start3A_35 = tpu.memref_slice %arg8[%mul3A_6, %dma_start3A] : memref<512x128xf32, #tpu.memory_space<hbm>> -> memref<16x128xf32, #tpu.memory_space<hbm>>
        %dma_start3A_36 = arith.constant 0 : i32
        %dma_start3A_37 = tpu.memref_slice %arg6[%multiple_of3A_34, %dma_start3A_36] : memref<32x128xf32, #tpu.memory_space<hbm>> -> memref<16x128xf32, #tpu.memory_space<hbm>>
        tpu.enqueue_dma source(%dma_start3A_37 : memref<16x128xf32, #tpu.memory_space<hbm>>) target(%dma_start3A_35 : memref<16x128xf32, #tpu.memory_space<hbm>>) target_semaphore(%run_scoped3A : memref<!tpu.dma_semaphore, #tpu.memory_space<semaphore_mem>>)
        %dma_wait3A = arith.constant 0 : i32
        %dma_wait3A_38 = tpu.memref_slice %arg8[%mul3A_6, %dma_wait3A] : memref<512x128xf32, #tpu.memory_space<hbm>> -> memref<16x128xf32, #tpu.memory_space<hbm>>
        %dma_wait3A_39 = arith.constant 0 : i32
        %dma_wait3A_40 = tpu.memref_slice %arg6[%multiple_of3A_34, %dma_wait3A_39] : memref<32x128xf32, #tpu.memory_space<hbm>> -> memref<16x128xf32, #tpu.memory_space<hbm>>
        tpu.wait_dma2 semaphore(%run_scoped3A : memref<!tpu.dma_semaphore, #tpu.memory_space<semaphore_mem>>) src(%dma_wait3A_40 : memref<16x128xf32, #tpu.memory_space<hbm>>) dst(%dma_wait3A_38 : memref<16x128xf32, #tpu.memory_space<hbm>>)
        tpu.yield
      }) : () -> ()
    } else {
    }
    %not3A = arith.constant true
    %not3A_10 = arith.xori %and3A, %not3A : i1
    %convert_element_type3A_11 = arith.extui %not3A_10 : i1 to i32
    %cond3A_12 = arith.constant 0 : i32
    %cond3A_13 = arith.cmpi ne, %convert_element_type3A_11, %cond3A_12 : i32
    scf.if %cond3A_13 {
      "tpu.region"() ({
        %run_scoped3A = tpu.sem_alloc : memref<!tpu.dma_semaphore, #tpu.memory_space<semaphore_mem>>
        %dma_start3A = arith.constant 0 : i32
        %dma_start3A_14 = tpu.memref_slice %arg7[%mul3A_4, %dma_start3A] : memref<65536x128xf32, #tpu.memory_space<hbm>> -> memref<2048x128xf32, #tpu.memory_space<hbm>>
        %dma_start3A_15 = arith.constant 0 : i32
        %dma_start3A_16 = tpu.memref_slice %arg3[%mul3A_4, %dma_start3A_15] : memref<65536x128xf32, #tpu.memory_space<hbm>> -> memref<2048x128xf32, #tpu.memory_space<hbm>>
        tpu.enqueue_dma source(%dma_start3A_16 : memref<2048x128xf32, #tpu.memory_space<hbm>>) target(%dma_start3A_14 : memref<2048x128xf32, #tpu.memory_space<hbm>>) target_semaphore(%run_scoped3A : memref<!tpu.dma_semaphore, #tpu.memory_space<semaphore_mem>>)
        %dma_wait3A = arith.constant 0 : i32
        %dma_wait3A_17 = tpu.memref_slice %arg7[%mul3A_4, %dma_wait3A] : memref<65536x128xf32, #tpu.memory_space<hbm>> -> memref<2048x128xf32, #tpu.memory_space<hbm>>
        %dma_wait3A_18 = arith.constant 0 : i32
        %dma_wait3A_19 = tpu.memref_slice %arg3[%mul3A_4, %dma_wait3A_18] : memref<65536x128xf32, #tpu.memory_space<hbm>> -> memref<2048x128xf32, #tpu.memory_space<hbm>>
        tpu.wait_dma2 semaphore(%run_scoped3A : memref<!tpu.dma_semaphore, #tpu.memory_space<semaphore_mem>>) src(%dma_wait3A_19 : memref<2048x128xf32, #tpu.memory_space<hbm>>) dst(%dma_wait3A_17 : memref<2048x128xf32, #tpu.memory_space<hbm>>)
        tpu.yield
      }) : () -> ()
      "tpu.region"() ({
        %run_scoped3A = tpu.sem_alloc : memref<!tpu.dma_semaphore, #tpu.memory_space<semaphore_mem>>
        %dma_start3A = arith.constant 0 : i32
        %dma_start3A_14 = tpu.memref_slice %arg8[%mul3A_6, %dma_start3A] : memref<512x128xf32, #tpu.memory_space<hbm>> -> memref<16x128xf32, #tpu.memory_space<hbm>>
        %dma_start3A_15 = arith.constant 0 : i32
        %dma_start3A_16 = tpu.memref_slice %arg5[%mul3A_6, %dma_start3A_15] : memref<512x128xf32, #tpu.memory_space<hbm>> -> memref<16x128xf32, #tpu.memory_space<hbm>>
        tpu.enqueue_dma source(%dma_start3A_16 : memref<16x128xf32, #tpu.memory_space<hbm>>) target(%dma_start3A_14 : memref<16x128xf32, #tpu.memory_space<hbm>>) target_semaphore(%run_scoped3A : memref<!tpu.dma_semaphore, #tpu.memory_space<semaphore_mem>>)
        %dma_wait3A = arith.constant 0 : i32
        %dma_wait3A_17 = tpu.memref_slice %arg8[%mul3A_6, %dma_wait3A] : memref<512x128xf32, #tpu.memory_space<hbm>> -> memref<16x128xf32, #tpu.memory_space<hbm>>
        %dma_wait3A_18 = arith.constant 0 : i32
        %dma_wait3A_19 = tpu.memref_slice %arg5[%mul3A_6, %dma_wait3A_18] : memref<512x128xf32, #tpu.memory_space<hbm>> -> memref<16x128xf32, #tpu.memory_space<hbm>>
        tpu.wait_dma2 semaphore(%run_scoped3A : memref<!tpu.dma_semaphore, #tpu.memory_space<semaphore_mem>>) src(%dma_wait3A_19 : memref<16x128xf32, #tpu.memory_space<hbm>>) dst(%dma_wait3A_17 : memref<16x128xf32, #tpu.memory_space<hbm>>)
        tpu.yield
      }) : () -> ()
    } else {
    }
    return
  }
}

</mosaic_0001>

<sc_bundles>
// kernel: kernel.3.cloned.1.call-start
scs
__scs_entry_jumppad:
0x0: {  	(pc) =	sbr.rel $0x88, $3  }
0x1: {  	(tag) =	ssettag $0x0;
	lr =	simm.s32 $0x1  }
0x2: {  	[smem:$0x3F9C] =	sst lr;
	_ =	strace $0xD0000000  }
0x3: {  	_ = 	snop  }
0x4: {  	_ = 	snop  }
0x5: {  	_ = 	snop  }
0x6: {  	_ = 	snop  }
0x7: {  	_ = 	snop  }
__scs_overlays_trampoline_lowered:
0x8: {  	[smem:$0x3FAB] =	sst s0  }
0x9: {  	[smem:$0x3FAC] =	sst s1  }
0xa: {  	[smem:$0x3FAD] =	sst s2  }
0xb: {  	[smem:$0x3FAE] =	sst s3  }
0xc: {  	[smem:$0x3FAF] =	sst s4  }
0xd: {  	[smem:$0x3FB0] =	sst s5  }
0xe: {  	[smem:$0x3FB1] =	sst s6  }
0xf: {  	[smem:$0x3FB2] =	sst s7  }
0x10: {  	[smem:$0x3FB3] =	sst s8  }
0x11: {  	[smem:$0x3FB4] =	sst s9;
	s0 =	simm.s32 @!p0 $0x0  }
0x12: {  	s1 =	sld [smem:$0x3F9A];
	s0 =	simm.s32 @p0 $0x1  }
0x13: {  	[smem:$0x3FB5] =	sst s0;
	s0 =	simm.s32 @!p1 $0x0  }
0x14: {  	s2 =	sld [smem:$0x3F99];
	s0 =	simm.s32 @p1 $0x1  }
0x15: {  	[smem:$0x3FB6] =	sst s0;
	s0 =	simm.s32 @!p2 $0x0  }
0x16: {  	s3 =	sld [smem:$0x3FDB];
	s0 =	simm.s32 @p2 $0x1  }
0x17: {  	s4 =	simm.s32 $0x1BF5;
	[smem:$0x3FB8] =	sst s0  }
0x18: {  	s0 =	sld [smem:$0x3F9B];
	_ =	swait.ge [sflag:s4], $0x0  }
0x19: {  	s7 =	sld [smem:$0x3F9C]  }
0x1a: {  	s8 =	sadd.s32 $0xFFFFE003, lr  }
0x1b: {  	s9 =	sadd.s32 $0xFFFFFEF7, lr;
	s5 =	simm.s32 $0xFFFFFFFF;
	p2 =	slt.u32 s8, $0xFFFFF086  }
0x1c: {  	p1 =	slt.u32 s9, $0xF7A;
	s5 =	simm.s32 @!p2 $0x0  }
0x1d: {  	s5 =	simm.s32 @p1 $0x1;
	p0 =	seq.s32 s7, s2  }
0x1e: {  	s7 =	smul.u32 @!p0 $0xF7A, s2;
	p2 =	seq.s32 @!p0 s5, $0x0  }
0x1f: {  	s9 =	smul.u32 $0xF7A, s1;
	s8 =	simm.s32 @!p0 $0x1BF5;
	p2 =	por !p2, p0  }
0x20: {  	[sflag:s8] =	ssyncset.s32 @!p0 $0xFFFFF086;
	s6 =	sadd.s32 @!p0 s3, s7;
	s7 =	simm.s32 @!p0 $0x108  }
0x21: {  	s3 =	sadd.s32 s3, s9;
	s6 =	sadd.s32 @!p0 $0x88, s6;
	s7 =	simm.s32 @p2 $0x1082  }
0x22: {  	[simem:s7], [sflag:s8] =	dma.local @!p0 [hbm:s6], $0xF7A  }
0x23: {  	s9 =	sor.u32 $0xD0000000, s2;
	s6 =	simm.s32 $0x108;
	_ =	swait.ge @!p0 [sflag:s8], $0x0  }
0x24: {  	s3 =	sadd.s32 $0x88, s3;
	s6 =	simm.s32 @!p1 $0x1082;
	[sflag:s4] =	ssyncset.s32 $0xFFFFF086  }
0x25: {  	[simem:s6], [sflag:s4] =	dma.local [hbm:s3], $0xF7A  }
0x26: {  	[smem:$0x3F9C] =	sst s1;
	(tag) =	ssettag s2;
	_ =	strace s9  }
0x27: {  	s1 =	sld [smem:$0x3FAC]  }
0x28: {  	s2 =	sld [smem:$0x3FAD]  }
0x29: {  	s4 =	sld [smem:$0x3FAF]  }
0x2a: {  	p0 =	seq.s32 s5, $0x0;
	s5 =	sld [smem:$0x3FB0]  }
0x2b: {  	s6 =	sld [smem:$0x3FB1]  }
0x2c: {  	s7 =	sld [smem:$0x3FB2]  }
0x2d: {  	s3 =	simm.s32 $0x108;
	s8 =	sld [smem:$0x3FB3]  }
0x2e: {  	s3 =	simm.s32 @!p0 $0x1082;
	s9 =	sld [smem:$0x3FB4]  }
0x2f: {  	lr =	sadd.s32 s0, s3;
	s0 =	sld [smem:$0x3FAB]  }
0x30: {  	s3 =	sld [smem:$0x3FAE]  }
0x31: {  	[smem:$0x3FB7] =	sst s10  }
0x32: {  	s10 =	sld [smem:$0x3FB5];
	_ =	sdelay $0x3  }
0x33: {  	p0 =	seq.s32 s10, $0x1;
	s10 =	sld [smem:$0x3FB7];
	_ =	sdelay $0x3  }
0x34: {  	[smem:$0x3FB7] =	sst s10  }
0x35: {  	s10 =	sld [smem:$0x3FB6];
	_ =	sdelay $0x3  }
0x36: {  	p1 =	seq.s32 s10, $0x1;
	s10 =	sld [smem:$0x3FB7];
	_ =	sdelay $0x3  }
0x37: {  	[smem:$0x3FB7] =	sst s10  }
0x38: {  	s10 =	sld [smem:$0x3FB8]  }
0x39: {  	_ = 	snop;
	(pc) =	sbr.ind lr, $3  }
0x3a: {  	_ = 	snop  }
0x3b: {  	_ = 	snop  }
0x3c: {  	p2 =	seq.s32 s10, $0x1;
	s10 =	sld [smem:$0x3FB7]  }
0x3d: {  	_ =	shalt  }
0x3e: {  	_ =	shalt  }
0x3f: {  	_ =	shalt  }
0x40: {  	_ =	shalt  }
0x41: {  	_ =	shalt  }
0x42: {  	_ =	shalt  }
0x43: {  	_ =	shalt  }
0x44: {  	_ =	shalt  }
0x45: {  	_ =	shalt  }
0x46: {  	_ =	shalt  }
0x47: {  	_ =	shalt  }
0x48: {  	_ =	shalt  }
0x49: {  	_ =	shalt  }
0x4a: {  	_ =	shalt  }
0x4b: {  	_ =	shalt  }
0x4c: {  	_ =	shalt  }
0x4d: {  	_ =	shalt  }
0x4e: {  	_ =	shalt  }
0x4f: {  	_ =	shalt  }
0x50: {  	_ =	shalt  }
0x51: {  	_ =	shalt  }
0x52: {  	_ =	shalt  }
0x53: {  	_ =	shalt  }
0x54: {  	_ =	shalt  }
0x55: {  	_ =	shalt  }
0x56: {  	_ =	shalt  }
0x57: {  	_ =	shalt  }
0x58: {  	_ =	shalt  }
0x59: {  	_ =	shalt  }
0x5a: {  	_ =	shalt  }
0x5b: {  	_ =	shalt  }
0x5c: {  	_ =	shalt  }
0x5d: {  	_ =	shalt  }
0x5e: {  	_ =	shalt  }
0x5f: {  	_ =	shalt  }
0x60: {  	_ =	shalt  }
0x61: {  	_ =	shalt  }
0x62: {  	_ =	shalt  }
0x63: {  	_ =	shalt  }
0x64: {  	_ =	shalt  }
0x65: {  	_ =	shalt  }
0x66: {  	_ =	shalt  }
0x67: {  	_ =	shalt  }
0x68: {  	_ =	shalt  }
0x69: {  	_ =	shalt  }
0x6a: {  	_ =	shalt  }
0x6b: {  	_ =	shalt  }
0x6c: {  	_ =	shalt  }
0x6d: {  	_ =	shalt  }
0x6e: {  	_ =	shalt  }
0x6f: {  	_ =	shalt  }
0x70: {  	_ =	shalt  }
0x71: {  	_ =	shalt  }
0x72: {  	_ =	shalt  }
0x73: {  	_ =	shalt  }
0x74: {  	_ =	shalt  }
0x75: {  	_ =	shalt  }
0x76: {  	_ =	shalt  }
0x77: {  	_ =	shalt  }
0x78: {  	_ =	shalt  }
0x79: {  	_ =	shalt  }
0x7a: {  	_ =	shalt  }
0x7b: {  	_ =	shalt  }
0x7c: {  	_ =	shalt  }
0x7d: {  	_ =	shalt  }
0x7e: {  	_ =	shalt  }
0x7f: {  	_ =	shalt  }
0x80: {  	_ =	shalt  }
0x81: {  	_ =	shalt  }
0x82: {  	_ =	shalt  }
0x83: {  	_ =	shalt  }
0x84: {  	_ =	shalt  }
0x85: {  	_ =	shalt  }
0x86: {  	_ =	shalt  }
0x87: {  	_ =	shalt  }
.Lfunc_end0:
.L_simem_size_0:
called_computation_lowered:
.L_overlay_start_0:
0x88: {  	s2 =	sld [smem:$0x3FD9]  }
0x89: {  	s3 =	sld [smem:$0x3FFE];
	_ =	sdelay $0x1  }
0x8a: {  	s1 =	srdreg.scid  }
0x8b: {  	s0 =	sand.u32 $0x1, s1  }
0x8c: {  	s14 =	sshll.u32 s0, $0xA;
	s2 =	sadd.s32 s3, s2  }
0x8d: {  	s2 =	sadd.s32 s2, s14  }
0x8e: {  	[smem:$0x3FC3] =	sst s2  }
0x8f: {  	_ = 	snop  }
0x90: {  	s2 =	sld [smem:$0x3FC9]  }
0x91: {  	s15 =	sld [smem:$0x3FD0]  }
0x92: {  	s4 =	sld [smem:$0x3FC8]  }
0x93: {  	s5 =	sld [smem:$0x3FC7]  }
0x94: {  	s7 =	simm.s32 $0xA;
	s8 =	simm.s32 $0x10;
	s6 =	sld [smem:$0x3FC6]  }
0x95: {  	[smem:s8], [sflag:s7] =	dma.local [hbm:s15], $0x1  }
0x96: {  	_ =	swait.eq [sflag:s7], $0x1  }
0x97: {  	[sflag:s7] =	ssyncset.done $0x0  }
0x98: {  	s16 =	sld [smem:$0x10];
	[sflag:s7] =	ssyncadd.s32 $0xFFFFFFFF  }
0x99: {  	s17 =	sld [smem:$0x11];
	(tm) =	ssettm $0x1  }
0x9a: {  	s18 =	sld [smem:$0x3FFB];
	_ =	sdelay $0x3  }
0x9b: {  	_ =	strace s18  }
0x9c: {  	s8 =	sld [smem:$0x3FFC];
	_ =	sdelay $0x3  }
0x9d: {  	_ =	strace s8  }
0x9e: {  	s8 =	sld [smem:$0x3FFD];
	_ =	sdelay $0x3  }
0x9f: {  	_ =	strace s8  }
0xa0: {  	_ =	strace $0x8FFFFFFF  }
0xa1: {  	s19 =	sld [smem:$0x3FDB];
	_ =	sdelay $0x1  }
0xa2: {  	s9 =	simm.s32 $_scs_section_size  }
0xa3: {  	s10 =	simm.s32 $_size__tile_overlayer_lowered;
	s11 =	simm.s32 $_tile_overlayer_lowered  }
0xa4: {  	s22 =	simm.s32 $0x1BFF;
	s21 =	sshll.u32 s11, $0x1;
	s8 =	sadd.s32 s9, s19  }
0xa5: {  	s12 =	simm.s32 $0x0;
	s20 =	sshll.u32 s10, $0x1;
	s10 =	sadd.s32 s21, s8  }
0xa6: {  	[timem:s12], [sflag:s22] =	dma.local [hbm:s10], s20  }
0xa7: {  	_ =	swait.ge [sflag:s22], s20  }
0xa8: {  	s9 =	ssub.s32 $0x0, s20;
	[sflag:s22] =	ssyncset.done $0x0  }
0xa9: {  	[sflag:s22] =	ssyncadd.s32 s9;
	_ =	sdelay $0x1  }
0xaa: {  	s23 =	simm.s32 $0x1B8B  }
0xab: {  	_ =	swait.ge [sflag:s23], $0x1  }
0xac: {  	[sflag:s23] =	ssyncset.done $0x0  }
0xad: {  	s25 =	simm.s32 $0x1B8E;
	s24 =	sld [smem:$0x3FFE];
	[sflag:s23] =	ssyncadd.s32 $0xFFFFFFFF  }
0xae: {  	s26 =	simm.s32 $execute0_lowered;
	[smem:$0x3FD2] =	sst s25  }
0xaf: {  	s10 =	sshll.u32 s26, $0x1;
	_ =	strace $0x80000046;
	[dreg:$0x1] =	wrdreg $0xFFFFFFFF  }
0xb0: {  	s28 =	simm.s32 $_size_execute0_lowered;
	s8 =	sadd.s32 s8, s10;
	[dreg:$0x0] =	wrdreg $0x0  }
0xb1: {  	s10 =	sshll.u32 s28, $0x1;
	[dreg:$0x2] =	wrdreg s8  }
0xb2: {  	[dreg:$0x3] =	wrdreg s10  }
0xb3: {  	[dreg:$0x4] =	wrdreg $0xC0  }
0xb4: {  	_ =	task [dreg:s12], $0x5FFFF  }
0xb5: {  	[dreg:$0x1] =	wrdreg $0xFFFFFFFF  }
0xb6: {  	[dreg:$0x0] =	wrdreg $0x60  }
0xb7: {  	[dreg:$0x2] =	wrdreg s24  }
0xb8: {  	[dreg:$0x3] =	wrdreg s2  }
0xb9: {  	[dreg:$0x4] =	wrdreg s5  }
0xba: {  	[dreg:$0x5] =	wrdreg s4  }
0xbb: {  	[dreg:$0x6] =	wrdreg s6  }
0xbc: {  	[dreg:$0x7] =	wrdreg s16  }
0xbd: {  	[dreg:$0x8] =	wrdreg s17  }
0xbe: {  	[dreg:$0x9] =	wrdreg $0x9  }
0xbf: {  	_ =	task.clear_ibuf [dreg:s12], $0xAFFFF;
	_ =	strace $0x90000046  }
0xc0: {  	s29 =	simm.s32 $0x9;
	_ =	strace $0x80000048  }
0xc1: {  	_ =	swait.ge [sflag:s29], $0x1  }
0xc2: {  	[sflag:s29] =	ssyncadd.s32 $0xFFFFFFFF  }
0xc3: {  	_ =	strace $0x90000048  }
0xc4: {  	_ =	sfence  }
0xc5: {  	s30 =	sld [smem:$0x0];
	_ =	sdelay $0x2  }
0xc6: {  	s31 =	sshll.u32 s1, $0xD;
	s1 =	sshrl.u32 s1, $0x2  }
0xc7: {  	s3 =	sand.u32 $0x4000, s31;
	s1 =	sadd.s32 s1, s30  }
0xc8: {  	s0 =	sor.u32 s3, s0;
	s1 =	sshll.u32 s1, $0x11  }
0xc9: {  	s0 =	sor.u32 s1, s0  }
0xca: {  	s0 =	sadd.s32 $0x8F2B, s0  }
0xcb: {  	[sflag:s0] =	ssyncadd.remote.s32 $0x1  }
0xcc: {  	_ =	sfence.sel $0xFFFF  }
0xcd: {  	[dreg:$0x0] =	wrdreg $0xFFFFFFFF;
	(pc) =	sbr.abs _section_cstart, $3  }
0xce: {  	[dreg:$0x1] =	wrdreg $0xFFFFFFFF  }
0xcf: {  	_ =	task.clear_ibuf [dreg:s12], $0x2FFFF;
	_ =	strace $0x9FFFFFFF  }
0xd0: {  	(tm) =	ssettm $0x7FFFFFFF  }
0xd1: {  	_ =	shalt  }
tec
execute0_lowered:
.L_overlay_start_1:
0x0: {  	(tag) =	ssettag $0x1  }
0x1: {  	s4 =	rddreg [dreg:$0x0]  }
0x2: {  	s9 =	rddreg [dreg:$0x1]  }
0x3: {  	s1 =	rddreg [dreg:$0x2]  }
0x4: {  	s10 =	rddreg [dreg:$0x3]  }
0x5: {  	s7 =	rddreg [dreg:$0x4]  }
0x6: {  	s6 =	rddreg [dreg:$0x5]  }
0x7: {  	s8 =	rddreg [dreg:$0x6]  }
0x8: {  	s0 =	rddreg [dreg:$0x7];
	s2 =	simm.s32 $0x0  }
0x9: {  	s3 =	srdreg.scid;
	[smem:$0x7FF] =	sst s2  }
0xa: {  	s5 =	sand.u32 $0x1, s3;
	s3 =	stileid.u32;
	s4 =	sadd.s32 $0x800, s4  }
0xb: {  	_ =	strace $0x80000047;
	s11 =	ssub.s32 $0x2, s5;
	s5 =	sshll.u32 s5, $0x4  }
0xc: {  	s31 =	sshll.u32 s3, $0x6;
	s12 =	sshrl.u32 s11, $0x1;
	s30 =	sor.u32 s3, s5  }
0xd: {  	s11 =	ssub.s32 s11, s12;
	s13 =	sshll.u32 s30, $0xF;
	s12 =	sshll.u32 s30, $0x8  }
0xe: {  	s5 =	sshll.u32 s30, $0xB;
	s6 =	sadd.s32 s6, s13;
	s7 =	sadd.s32 s7, s12  }
0xf: {  	s8 =	sadd.s32 s8, s12;
	s9 =	sadd.s32 s9, s13;
	s10 =	sadd.s32 s10, s12  }
0x10: {  	s11 =	smax.u32 s11, $0x1;
	s12 =	simm.s32 $0x1;
	s13 =	sor.u32 $0x1C01, s31  }
.LBB2_1:
0x11: {  	[tilespmem:s2], [sflag:$0x1] =	stream.linear.gather [hbm4b:s4+s2], $0x80, $0x38;
	[tilespmem:$0x80] =	vst v63  }
0x12: {  	_ =	swait.ge [sflag:s12], $0x80  }
0x13: {  	[sflag:s12] =	ssyncset.done $0x0  }
0x14: {  	[sflag:s12] =	ssyncadd.s32 $0xFFFFFF80  }
0x15: {  	v0 =	vld [tilespmem:$0x0];
	_ =	sdelay $0x4  }
0x16: {  	(v2sf) =	vpush v0, $0x0;
	_ =	sdelay $0xe  }
0x17: {  	s14 =	spop (v2sf)  }
0x18: {  	p0 =	slt.s32 s5, s14;
	s15 =	sadd.s32 $0x1000, s14  }
0x19: {  	p1 =	sge.s32 @!p0 s5, s15  }
0x1a: {  	p0 =	por p0, p1  }
0x1b: {  	[hbm:s6], [sflag:s13] =	dma.local @p0 [hbm:s9], $0x8000  }
0x1c: {  	s14 =	smov.u32 @p0 s10  }
0x1d: {  	_ =	swait.ge @p0 [sflag:s12], $0x8000;
	s15 =	ssub.s32 @!p0 s5, s14  }
0x1e: {  	[sflag:s12] =	ssyncset.done @p0 $0x0;
	s15 =	sshll.u32 @!p0 s15, $0x4  }
0x1f: {  	[sflag:s12] =	ssyncadd.s32 @p0 $0xFFFF8000;
	s15 =	sadd.s32 @!p0 s1, s15  }
0x20: {  	[hbm:s6], [sflag:s13] =	dma.local @!p0 [hbm:s15], $0x8000  }
0x21: {  	_ =	swait.ge @!p0 [sflag:s12], $0x8000  }
0x22: {  	s11 =	sadd.s32 $0xFFFFFFFF, s11;
	s14 =	sshra.s32 @!p0 s14, $0x3;
	[sflag:s12] =	ssyncset.done @!p0 $0x0  }
0x23: {  	s14 =	ssub.s32 @!p0 s7, s14;
	[sflag:s12] =	ssyncadd.s32 @!p0 $0xFFFF8000;
	p0 =	sne.s32 s11, $0x0  }
.Ltmp0:
0x24: {  	_ = 	snop;
	(pc) =	sbr.rel @p0 .LBB2_1-.Ltmp0, $4  }
0x25: {  	[hbm:s8], [sflag:s13] =	dma.local [hbm:s14], $0x100  }
0x26: {  	_ =	swait.ge [sflag:s12], $0x100  }
0x27: {  	[sflag:s12] =	ssyncset.done $0x0  }
0x28: {  	[sflag:s12] =	ssyncadd.s32 $0xFFFFFF00  }
0x29: {  	_ =	sfence.sel $0x180000  }
0x2a: {  	[bflag:$0x0] =	sbarrier.arrive $0xFFFF  }
0x2b: {  	p0 =	sne.s32 s3, $0x0;
	_ =	strace $0x90000047  }
0x2c: {  	s0 =	sadd.s32 @!p0 $0x100000, s0;
	[bflag:$0x2] =	sbarrier.arrive $0xFFFF  }
0x2d: {  	[sflag:s0] =	ssyncadd.tile.s32 @!p0 $0x1;
	_ =	shalt  }
.Lfunc_end2:
_tile_overlayer_lowered:
.L_overlay_start_2:
0x2e: {  	(tag) =	ssettag $0x2  }
0x2f: {  	s0 =	rddreg [dreg:$0x0];
	s2 =	stileid.u32  }
0x30: {  	s1 =	rddreg [dreg:$0x1];
	p0 =	sne.s32 s2, $0x0  }
0x31: {  	s3 =	rddreg [dreg:$0x2];
	[bflag:$0x3] =	sbarrier.arrive $0xFFFF;
	s2 =	simm.s32 @!p0 $0x1C01  }
0x32: {  	[timem:s3], [sflag:s2] =	dma.local @!p0 [hbm:s0], s1  }
0x33: {  	s0 =	simm.s32 @!p0 $0x1  }
0x34: {  	_ =	swait.ge @!p0 [sflag:s0], s1  }
0x35: {  	s1 =	ssub.s32 @!p0 $0x0, s1;
	[sflag:s0] =	ssyncset.done @!p0 $0x0  }
0x36: {  	[sflag:s0] =	ssyncadd.s32 @!p0 s1  }
0x37: {  	[bflag:$0x3] =	sbarrier.arrive $0xFFFF  }
0x38: {  	_ =	shalt  }

</sc_bundles>
